<compile_context>
chip_gen: v7x
topology: tpu7x:2x2x1
jax: 0.10.2.dev20260603
libtpu: 0.0.44.dev20260713+nightly
codegen_flags: <defaults>
</compile_context>

<pallas_src>
import functools

import jax
import jax.numpy as jnp
import numpy as np
from jax import lax
from jax.experimental import pallas as pl
from jax.experimental.pallas import tpu as pltpu
from jax.experimental.pallas import tpu_sc as plsc

_EPS = np.float32(np.finfo(np.float32).tiny)
_LANES = 16


def _prelude_body(att_ref, u_ref, e0_ref):
    z = -jnp.log(-jnp.log(u_ref[...] + _EPS))
    ag = att_ref[...] + z
    m0 = jnp.max(ag, axis=-1, keepdims=True)
    e0_ref[...] = jnp.exp(ag - m0)


def _tc_prelude(att, uniform):
    return pl.pallas_call(
        _prelude_body,
        out_shape=jax.ShapeDtypeStruct(att.shape, jnp.float32),
    )(att, uniform)


def _sc_topk_loop(e0, karr, rows, n):
    nslices = n // _LANES
    mesh = plsc.VectorSubcoreMesh(core_axis_name="c", subcore_axis_name="s")

    def body(e0_hbm, k_hbm, out_hbm, e_v, acc_v, k_v):
        zeros = jnp.zeros((_LANES,), jnp.float32)
        c = lax.axis_index("c")
        s = lax.axis_index("s")
        wid = s * 2 + c

        @pl.when(wid < rows)
        def _():
            pltpu.sync_copy(e0_hbm.at[wid], e_v)
            pltpu.sync_copy(k_hbm, k_v)
            kk = k_v[pl.ds(0, _LANES)][0]

            zeros8 = (zeros,) * 8

            @plsc.parallel_loop(0, n, step=_LANES, unroll=8, carry=zeros8)
            def init_loop(i, ps):
                sl = pl.ds(i, _LANES)
                acc_v[sl] = zeros
                return ps[1:] + (ps[0] + e_v[sl],)

            def _combine(ps):
                t = ((ps[0] + ps[1]) + (ps[2] + ps[3])) + ((ps[4] + ps[5]) + (ps[6] + ps[7]))
                return jnp.broadcast_to(jnp.sum(t), (_LANES,))

            svec = _combine(init_loop)

            def iter_body(_, sv):
                rinv = 1.0 / sv

                @plsc.parallel_loop(0, n, step=_LANES, unroll=8, carry=zeros8)
                def psum_loop(i, ps):
                    sl = pl.ds(i, _LANES)
                    v = e_v[sl]
                    oh = v * rinv
                    plsc.addupdate(acc_v.at[sl], oh)
                    vn = v * jnp.maximum(1.0 - oh, _EPS)
                    e_v[sl] = vn
                    return ps[1:] + (ps[0] + vn,)

                return _combine(psum_loop)

            lax.fori_loop(0, kk, iter_body, svec)
            pltpu.sync_copy(acc_v, out_hbm.at[wid])

    return pl.kernel(
        body,
        out_type=jax.ShapeDtypeStruct((rows, n), jnp.float32),
        mesh=mesh,
        compiler_params=pltpu.CompilerParams(needs_layout_passes=False),
        scratch_types=[
            pltpu.VMEM((n,), jnp.float32),
            pltpu.VMEM((n,), jnp.float32),
            pltpu.VMEM((_LANES,), jnp.int32),
        ],
    )(e0, karr)


def kernel(att, uniform, k):
    rows, n = att.shape
    e0 = _tc_prelude(att, uniform)
    karr = jnp.full((_LANES,), k, dtype=jnp.int32)
    return _sc_topk_loop(e0, karr, rows, n)

# --- scband reference (transcript-rebuilt; emitter-appended) ---
"""Pipeline reference for scband-sampler-14757507629248 (READ-ONLY COPY).

The authoritative reference and input builder live on the scoring server;
editing this copy changes nothing except your own understanding.
"""

import jax, jax.numpy as jnp
import numpy as np

EPS = jnp.float32(np.finfo(np.float32).tiny)
TEMPERATURE = 1.0

def setup_inputs(seed: int = 0) -> dict:
    key = jax.random.key(seed)
    k1, k2 = jax.random.split(key)
    att = jax.random.normal(k1, (8, 2048), dtype=jnp.float32)
    uniform = jax.random.uniform(k2, (8, 2048), dtype=jnp.float32)
    return {"att": att, "uniform": uniform, "k": 1229}

def reference(att, uniform, k):
    # gumbel_keys: perturb attention scores with Gumbel noise (noise supplied as input for determinism)
    z = -jnp.log(-jnp.log(uniform + EPS))
    att_g = att + z
    # continuous_topk: iterative relaxed top-k selection (separate=False -> sum of khot vectors)
    onehot0 = jnp.zeros_like(att_g)
    acc0 = jnp.zeros_like(att_g)

    def body(_, carry):
        ag, onehot, acc = carry
        khot_mask = jnp.maximum(1.0 - onehot, EPS)
        ag = ag + jnp.log(khot_mask)
        onehot = jax.nn.softmax(ag / TEMPERATURE, axis=-1)
        acc = acc + onehot
        return (ag, onehot, acc)

    _, _, khot = jax.lax.fori_loop(0, k, body, (att_g, onehot0, acc0))
    return khot

if __name__ == "__main__":
    import jax
    _d = setup_inputs()
    print(jax.jit(kernel)(*tuple(_d.values())))

</pallas_src>

<mosaic_0001>
#map = affine_map<(d0, d1) -> (0, 0)>
#map1 = affine_map<(d0, d1) -> (0)>
module attributes {stable_mosaic.version = 14 : i64} {
  func.func @body(%arg0: i32, %arg1: i32, %arg2: memref<8x2048xf32, #tpu.memory_space<hbm>>, %arg3: memref<16xi32, #tpu.memory_space<hbm>>, %arg4: memref<8x2048xf32, #tpu.memory_space<hbm>>, %arg5: memref<2048xf32, #tpu.memory_space<vmem>>, %arg6: memref<2048xf32, #tpu.memory_space<vmem>>, %arg7: memref<16xi32, #tpu.memory_space<vmem>>) attributes {dimension_semantics = [#tpu.dimension_semantics<core_parallel>, #tpu.dimension_semantics<subcore_parallel>], iteration_bounds = array<i64: 2, 16>, scalar_prefetch = 0 : i64, scratch_operands = 3 : i64, tpu.core_type = #tpu.core_type<sc_vector_subcore>, window_params = [{transform_indices = #map}, {transform_indices = #map1}, {transform_indices = #map}]} {
    %broadcast_in_dim3A = arith.constant 0.000000e+00 : f32
    %broadcast_in_dim3A_0 = vector.broadcast %broadcast_in_dim3A : f32 to vector<16xf32>
    %mul3A = arith.constant 2 : i32
    %mul3A_1 = arith.muli %arg1, %mul3A : i32
    %add3A = arith.addi %mul3A_1, %arg0 : i32
    %lt3A = arith.constant 8 : i32
    %lt3A_2 = arith.cmpi slt, %add3A, %lt3A : i32
    %convert_element_type3A = arith.extui %lt3A_2 : i1 to i32
    %cond3A = arith.constant 0 : i32
    %cond3A_3 = arith.cmpi ne, %convert_element_type3A, %cond3A : i32
    scf.if %cond3A_3 {
      "tpu.region"() ({
        %run_scoped3A = tpu.sem_alloc : memref<!tpu.dma_semaphore, #tpu.memory_space<semaphore_mem>>
        %dma_start3A = arith.constant 0 : i32
        %dma_start3A_29 = tpu.memref_slice %arg2[%add3A, %dma_start3A] : memref<8x2048xf32, #tpu.memory_space<hbm>> -> memref<1x2048xf32, #tpu.memory_space<hbm>>
        %dma_start3A_30 = tpu.memref_squeeze %dma_start3A_29 : memref<1x2048xf32, #tpu.memory_space<hbm>> -> memref<2048xf32, #tpu.memory_space<hbm>>
        %dma_start3A_31 = arith.constant 0 : i32
        %dma_start3A_32 = tpu.memref_slice %arg2[%add3A, %dma_start3A_31] : memref<8x2048xf32, #tpu.memory_space<hbm>> -> memref<1x2048xf32, #tpu.memory_space<hbm>>
        %dma_start3A_33 = tpu.memref_squeeze %dma_start3A_32 : memref<1x2048xf32, #tpu.memory_space<hbm>> -> memref<2048xf32, #tpu.memory_space<hbm>>
        tpu.enqueue_dma source(%dma_start3A_33 : memref<2048xf32, #tpu.memory_space<hbm>>) target(%arg5 : memref<2048xf32, #tpu.memory_space<vmem>>) target_semaphore(%run_scoped3A : memref<!tpu.dma_semaphore, #tpu.memory_space<semaphore_mem>>)
        %dma_wait3A = arith.constant 0 : i32
        %dma_wait3A_34 = tpu.memref_slice %arg2[%add3A, %dma_wait3A] : memref<8x2048xf32, #tpu.memory_space<hbm>> -> memref<1x2048xf32, #tpu.memory_space<hbm>>
        %dma_wait3A_35 = tpu.memref_squeeze %dma_wait3A_34 : memref<1x2048xf32, #tpu.memory_space<hbm>> -> memref<2048xf32, #tpu.memory_space<hbm>>
        %dma_wait3A_36 = arith.constant 0 : i32
        %dma_wait3A_37 = tpu.memref_slice %arg2[%add3A, %dma_wait3A_36] : memref<8x2048xf32, #tpu.memory_space<hbm>> -> memref<1x2048xf32, #tpu.memory_space<hbm>>
        %dma_wait3A_38 = tpu.memref_squeeze %dma_wait3A_37 : memref<1x2048xf32, #tpu.memory_space<hbm>> -> memref<2048xf32, #tpu.memory_space<hbm>>
        tpu.wait_dma2 semaphore(%run_scoped3A : memref<!tpu.dma_semaphore, #tpu.memory_space<semaphore_mem>>) src(%dma_wait3A_38 : memref<2048xf32, #tpu.memory_space<hbm>>) dst(%arg5 : memref<2048xf32, #tpu.memory_space<vmem>>)
        tpu.yield
      }) : () -> ()
      "tpu.region"() ({
        %run_scoped3A = tpu.sem_alloc : memref<!tpu.dma_semaphore, #tpu.memory_space<semaphore_mem>>
        tpu.enqueue_dma source(%arg3 : memref<16xi32, #tpu.memory_space<hbm>>) target(%arg7 : memref<16xi32, #tpu.memory_space<vmem>>) target_semaphore(%run_scoped3A : memref<!tpu.dma_semaphore, #tpu.memory_space<semaphore_mem>>)
        tpu.wait_dma2 semaphore(%run_scoped3A : memref<!tpu.dma_semaphore, #tpu.memory_space<semaphore_mem>>) src(%arg3 : memref<16xi32, #tpu.memory_space<hbm>>) dst(%arg7 : memref<16xi32, #tpu.memory_space<vmem>>)
        tpu.yield
      }) : () -> ()
      %get3A = arith.constant 0 : index
      %get3A_4 = tpu.vector_load %arg7[%get3A] {strides = array<i32>} : memref<16xi32, #tpu.memory_space<vmem>>, vector<16xi32>,
      %slice3A = vector.extract_strided_slice %get3A_4 {offsets = [0], sizes = [1], strides = [1]} : vector<16xi32> to vector<1xi32>
      %squeeze3A = vector.extract %slice3A[0] : i32 from vector<1xi32>
      %parallel_loop3A = arith.constant 0 : i32
      %parallel_loop3A_5 = arith.constant 2048 : i32
      %parallel_loop3A_6 = arith.constant 16 : i32
      %parallel_loop3A_7:8 = scf.for %parallel_loop3A_29 = %parallel_loop3A to %parallel_loop3A_5 step %parallel_loop3A_6 iter_args(%parallel_loop3A_30 = %broadcast_in_dim3A_0, %parallel_loop3A_31 = %broadcast_in_dim3A_0, %parallel_loop3A_32 = %broadcast_in_dim3A_0, %parallel_loop3A_33 = %broadcast_in_dim3A_0, %parallel_loop3A_34 = %broadcast_in_dim3A_0, %parallel_loop3A_35 = %broadcast_in_dim3A_0, %parallel_loop3A_36 = %broadcast_in_dim3A_0, %parallel_loop3A_37 = %broadcast_in_dim3A_0) -> (vector<16xf32>, vector<16xf32>, vector<16xf32>, vector<16xf32>, vector<16xf32>, vector<16xf32>, vector<16xf32>, vector<16xf32>)  : i32 {
        %parallel_loop3A_38 = arith.index_cast %parallel_loop3A_29 : i32 to index
        %parallel_loop3A_39 = tpu.vector_load %arg6[%parallel_loop3A_38] {strides = array<i32>} : memref<2048xf32, #tpu.memory_space<vmem>>, vector<16xf32>,
        tpu.vector_store %arg6[%parallel_loop3A_38], %broadcast_in_dim3A_0 {strides = array<i32>} : memref<2048xf32, #tpu.memory_space<vmem>>, vector<16xf32>,
        %parallel_loop3A_40 = arith.index_cast %parallel_loop3A_29 : i32 to index
        %parallel_loop3A_41 = tpu.vector_load %arg5[%parallel_loop3A_40] {strides = array<i32>} : memref<2048xf32, #tpu.memory_space<vmem>>, vector<16xf32>,
        %parallel_loop3A_42 = arith.addf %parallel_loop3A_30, %parallel_loop3A_41 : vector<16xf32>
        scf.yield %parallel_loop3A_31, %parallel_loop3A_32, %parallel_loop3A_33, %parallel_loop3A_34, %parallel_loop3A_35, %parallel_loop3A_36, %parallel_loop3A_37, %parallel_loop3A_42 : vector<16xf32>, vector<16xf32>, vector<16xf32>, vector<16xf32>, vector<16xf32>, vector<16xf32>, vector<16xf32>, vector<16xf32>
      } {sc.loop_unroll_factor = 8 : i64, sc.parallel_access}
      %add3A_8 = arith.addf %parallel_loop3A_7#0, %parallel_loop3A_7#1 : vector<16xf32>
      %add3A_9 = arith.addf %parallel_loop3A_7#2, %parallel_loop3A_7#3 : vector<16xf32>
      %add3A_10 = arith.addf %add3A_8, %add3A_9 : vector<16xf32>
      %add3A_11 = arith.addf %parallel_loop3A_7#4, %parallel_loop3A_7#5 : vector<16xf32>
      %add3A_12 = arith.addf %parallel_loop3A_7#6, %parallel_loop3A_7#7 : vector<16xf32>
      %add3A_13 = arith.addf %add3A_11, %add3A_12 : vector<16xf32>
      %add3A_14 = arith.addf %add3A_10, %add3A_13 : vector<16xf32>
      %reduce_sum3A = arith.constant true
      %reduce_sum3A_15 = vector.broadcast %reduce_sum3A : i1 to vector<16xi1>
      %reduce_sum3A_16 = tpu.scan <sum>, %add3A_14 masked %reduce_sum3A_15 : vector<16xf32>, vector<16xi1> -> vector<16xf32>
      %reduce_sum3A_17 = vector.extract %reduce_sum3A_16[15] : f32 from vector<16xf32>
      %broadcast_in_dim3A_18 = vector.broadcast %reduce_sum3A_17 : f32 to vector<16xf32>
      %while3A = arith.constant 0 : i32
      %while3A_19 = arith.subi %squeeze3A, %while3A : i32
      %while3A_20 = arith.addi %while3A, %while3A_19 : i32
      %while3A_21 = arith.constant 1 : i32
      %while3A_22 = arith.divsi %while3A_19, %while3A_21 : i32
      %while3A_23 = arith.muli %while3A_22, %while3A_21 : i32
      %while3A_24 = arith.addi %while3A, %while3A_23 : i32
      %while3A_25 = arith.constant 1 : i32
      %while3A_26 = scf.for %while3A_29 = %while3A to %while3A_24 step %while3A_25 iter_args(%while3A_30 = %broadcast_in_dim3A_18) -> (vector<16xf32>)  : i32 {
        %div3A = arith.constant 1.000000e+00 : f32
        %div3A_31 = vector.broadcast %div3A : f32 to vector<16xf32>
        %div3A_32 = arith.divf %div3A_31, %while3A_30 : vector<16xf32>
        %parallel_loop3A_33 = arith.constant 0 : i32
        %parallel_loop3A_34 = arith.constant 2048 : i32
        %parallel_loop3A_35 = arith.constant 16 : i32
        %parallel_loop3A_36:8 = scf.for %parallel_loop3A_49 = %parallel_loop3A_33 to %parallel_loop3A_34 step %parallel_loop3A_35 iter_args(%parallel_loop3A_50 = %broadcast_in_dim3A_0, %parallel_loop3A_51 = %broadcast_in_dim3A_0, %parallel_loop3A_52 = %broadcast_in_dim3A_0, %parallel_loop3A_53 = %broadcast_in_dim3A_0, %parallel_loop3A_54 = %broadcast_in_dim3A_0, %parallel_loop3A_55 = %broadcast_in_dim3A_0, %parallel_loop3A_56 = %broadcast_in_dim3A_0, %parallel_loop3A_57 = %broadcast_in_dim3A_0) -> (vector<16xf32>, vector<16xf32>, vector<16xf32>, vector<16xf32>, vector<16xf32>, vector<16xf32>, vector<16xf32>, vector<16xf32>)  : i32 {
          %parallel_loop3A_58 = arith.index_cast %parallel_loop3A_49 : i32 to index
          %parallel_loop3A_59 = tpu.vector_load %arg5[%parallel_loop3A_58] {strides = array<i32>} : memref<2048xf32, #tpu.memory_space<vmem>>, vector<16xf32>,
          %parallel_loop3A_60 = arith.mulf %parallel_loop3A_59, %div3A_32 : vector<16xf32>
          %parallel_loop3A_61 = arith.index_cast %parallel_loop3A_49 : i32 to index
          %parallel_loop3A_62 = tpu.vector_load %arg6[%parallel_loop3A_61] {strides = array<i32>} : memref<2048xf32, #tpu.memory_space<vmem>>, vector<16xf32>,
          tpu.vector_store %arg6[%parallel_loop3A_61], %parallel_loop3A_60 {add = true, strides = array<i32>} : memref<2048xf32, #tpu.memory_space<vmem>>, vector<16xf32>,
          %parallel_loop3A_63 = arith.constant 1.000000e+00 : f32
          %parallel_loop3A_64 = vector.broadcast %parallel_loop3A_63 : f32 to vector<16xf32>
          %parallel_loop3A_65 = arith.subf %parallel_loop3A_64, %parallel_loop3A_60 : vector<16xf32>
          %parallel_loop3A_66 = arith.constant 1.17549435E-38 : f32
          %parallel_loop3A_67 = vector.broadcast %parallel_loop3A_66 : f32 to vector<16xf32>
          %parallel_loop3A_68 = arith.maximumf %parallel_loop3A_65, %parallel_loop3A_67 : vector<16xf32>
          %parallel_loop3A_69 = arith.mulf %parallel_loop3A_59, %parallel_loop3A_68 : vector<16xf32>
          %parallel_loop3A_70 = arith.index_cast %parallel_loop3A_49 : i32 to index
          %parallel_loop3A_71 = tpu.vector_load %arg5[%parallel_loop3A_70] {strides = array<i32>} : memref<2048xf32, #tpu.memory_space<vmem>>, vector<16xf32>,
          tpu.vector_store %arg5[%parallel_loop3A_70], %parallel_loop3A_69 {strides = array<i32>} : memref<2048xf32, #tpu.memory_space<vmem>>, vector<16xf32>,
          %parallel_loop3A_72 = arith.addf %parallel_loop3A_50, %parallel_loop3A_69 : vector<16xf32>
          scf.yield %parallel_loop3A_51, %parallel_loop3A_52, %parallel_loop3A_53, %parallel_loop3A_54, %parallel_loop3A_55, %parallel_loop3A_56, %parallel_loop3A_57, %parallel_loop3A_72 : vector<16xf32>, vector<16xf32>, vector<16xf32>, vector<16xf32>, vector<16xf32>, vector<16xf32>, vector<16xf32>, vector<16xf32>
        } {sc.loop_unroll_factor = 8 : i64, sc.parallel_access}
        %add3A_37 = arith.addf %parallel_loop3A_36#0, %parallel_loop3A_36#1 : vector<16xf32>
        %add3A_38 = arith.addf %parallel_loop3A_36#2, %parallel_loop3A_36#3 : vector<16xf32>
        %add3A_39 = arith.addf %add3A_37, %add3A_38 : vector<16xf32>
        %add3A_40 = arith.addf %parallel_loop3A_36#4, %parallel_loop3A_36#5 : vector<16xf32>
        %add3A_41 = arith.addf %parallel_loop3A_36#6, %parallel_loop3A_36#7 : vector<16xf32>
        %add3A_42 = arith.addf %add3A_40, %add3A_41 : vector<16xf32>
        %add3A_43 = arith.addf %add3A_39, %add3A_42 : vector<16xf32>
        %reduce_sum3A_44 = arith.constant true
        %reduce_sum3A_45 = vector.broadcast %reduce_sum3A_44 : i1 to vector<16xi1>
        %reduce_sum3A_46 = tpu.scan <sum>, %add3A_43 masked %reduce_sum3A_45 : vector<16xf32>, vector<16xi1> -> vector<16xf32>
        %reduce_sum3A_47 = vector.extract %reduce_sum3A_46[15] : f32 from vector<16xf32>
        %broadcast_in_dim3A_48 = vector.broadcast %reduce_sum3A_47 : f32 to vector<16xf32>
        scf.yield %broadcast_in_dim3A_48 : vector<16xf32>
      }
      %while3A_27 = arith.constant 1 : i32
      %while3A_28 = scf.for %while3A_29 = %while3A_24 to %while3A_20 step %while3A_27 iter_args(%while3A_30 = %while3A_26) -> (vector<16xf32>)  : i32 {
        %div3A = arith.constant 1.000000e+00 : f32
        %div3A_31 = vector.broadcast %div3A : f32 to vector<16xf32>
        %div3A_32 = arith.divf %div3A_31, %while3A_30 : vector<16xf32>
        %parallel_loop3A_33 = arith.constant 0 : i32
        %parallel_loop3A_34 = arith.constant 2048 : i32
        %parallel_loop3A_35 = arith.constant 16 : i32
        %parallel_loop3A_36:8 = scf.for %parallel_loop3A_49 = %parallel_loop3A_33 to %parallel_loop3A_34 step %parallel_loop3A_35 iter_args(%parallel_loop3A_50 = %broadcast_in_dim3A_0, %parallel_loop3A_51 = %broadcast_in_dim3A_0, %parallel_loop3A_52 = %broadcast_in_dim3A_0, %parallel_loop3A_53 = %broadcast_in_dim3A_0, %parallel_loop3A_54 = %broadcast_in_dim3A_0, %parallel_loop3A_55 = %broadcast_in_dim3A_0, %parallel_loop3A_56 = %broadcast_in_dim3A_0, %parallel_loop3A_57 = %broadcast_in_dim3A_0) -> (vector<16xf32>, vector<16xf32>, vector<16xf32>, vector<16xf32>, vector<16xf32>, vector<16xf32>, vector<16xf32>, vector<16xf32>)  : i32 {
          %parallel_loop3A_58 = arith.index_cast %parallel_loop3A_49 : i32 to index
          %parallel_loop3A_59 = tpu.vector_load %arg5[%parallel_loop3A_58] {strides = array<i32>} : memref<2048xf32, #tpu.memory_space<vmem>>, vector<16xf32>,
          %parallel_loop3A_60 = arith.mulf %parallel_loop3A_59, %div3A_32 : vector<16xf32>
          %parallel_loop3A_61 = arith.index_cast %parallel_loop3A_49 : i32 to index
          %parallel_loop3A_62 = tpu.vector_load %arg6[%parallel_loop3A_61] {strides = array<i32>} : memref<2048xf32, #tpu.memory_space<vmem>>, vector<16xf32>,
          tpu.vector_store %arg6[%parallel_loop3A_61], %parallel_loop3A_60 {add = true, strides = array<i32>} : memref<2048xf32, #tpu.memory_space<vmem>>, vector<16xf32>,
          %parallel_loop3A_63 = arith.constant 1.000000e+00 : f32
          %parallel_loop3A_64 = vector.broadcast %parallel_loop3A_63 : f32 to vector<16xf32>
          %parallel_loop3A_65 = arith.subf %parallel_loop3A_64, %parallel_loop3A_60 : vector<16xf32>
          %parallel_loop3A_66 = arith.constant 1.17549435E-38 : f32
          %parallel_loop3A_67 = vector.broadcast %parallel_loop3A_66 : f32 to vector<16xf32>
          %parallel_loop3A_68 = arith.maximumf %parallel_loop3A_65, %parallel_loop3A_67 : vector<16xf32>
          %parallel_loop3A_69 = arith.mulf %parallel_loop3A_59, %parallel_loop3A_68 : vector<16xf32>
          %parallel_loop3A_70 = arith.index_cast %parallel_loop3A_49 : i32 to index
          %parallel_loop3A_71 = tpu.vector_load %arg5[%parallel_loop3A_70] {strides = array<i32>} : memref<2048xf32, #tpu.memory_space<vmem>>, vector<16xf32>,
          tpu.vector_store %arg5[%parallel_loop3A_70], %parallel_loop3A_69 {strides = array<i32>} : memref<2048xf32, #tpu.memory_space<vmem>>, vector<16xf32>,
          %parallel_loop3A_72 = arith.addf %parallel_loop3A_50, %parallel_loop3A_69 : vector<16xf32>
          scf.yield %parallel_loop3A_51, %parallel_loop3A_52, %parallel_loop3A_53, %parallel_loop3A_54, %parallel_loop3A_55, %parallel_loop3A_56, %parallel_loop3A_57, %parallel_loop3A_72 : vector<16xf32>, vector<16xf32>, vector<16xf32>, vector<16xf32>, vector<16xf32>, vector<16xf32>, vector<16xf32>, vector<16xf32>
        } {sc.loop_unroll_factor = 8 : i64, sc.parallel_access}
        %add3A_37 = arith.addf %parallel_loop3A_36#0, %parallel_loop3A_36#1 : vector<16xf32>
        %add3A_38 = arith.addf %parallel_loop3A_36#2, %parallel_loop3A_36#3 : vector<16xf32>
        %add3A_39 = arith.addf %add3A_37, %add3A_38 : vector<16xf32>
        %add3A_40 = arith.addf %parallel_loop3A_36#4, %parallel_loop3A_36#5 : vector<16xf32>
        %add3A_41 = arith.addf %parallel_loop3A_36#6, %parallel_loop3A_36#7 : vector<16xf32>
        %add3A_42 = arith.addf %add3A_40, %add3A_41 : vector<16xf32>
        %add3A_43 = arith.addf %add3A_39, %add3A_42 : vector<16xf32>
        %reduce_sum3A_44 = arith.constant true
        %reduce_sum3A_45 = vector.broadcast %reduce_sum3A_44 : i1 to vector<16xi1>
        %reduce_sum3A_46 = tpu.scan <sum>, %add3A_43 masked %reduce_sum3A_45 : vector<16xf32>, vector<16xi1> -> vector<16xf32>
        %reduce_sum3A_47 = vector.extract %reduce_sum3A_46[15] : f32 from vector<16xf32>
        %broadcast_in_dim3A_48 = vector.broadcast %reduce_sum3A_47 : f32 to vector<16xf32>
        scf.yield %broadcast_in_dim3A_48 : vector<16xf32>
      }
      "tpu.region"() ({
        %run_scoped3A = tpu.sem_alloc : memref<!tpu.dma_semaphore, #tpu.memory_space<semaphore_mem>>
        %dma_start3A = arith.constant 0 : i32
        %dma_start3A_29 = tpu.memref_slice %arg4[%add3A, %dma_start3A] : memref<8x2048xf32, #tpu.memory_space<hbm>> -> memref<1x2048xf32, #tpu.memory_space<hbm>>
        %dma_start3A_30 = tpu.memref_squeeze %dma_start3A_29 : memref<1x2048xf32, #tpu.memory_space<hbm>> -> memref<2048xf32, #tpu.memory_space<hbm>>
        %dma_start3A_31 = arith.constant 0 : i32
        %dma_start3A_32 = tpu.memref_slice %arg4[%add3A, %dma_start3A_31] : memref<8x2048xf32, #tpu.memory_space<hbm>> -> memref<1x2048xf32, #tpu.memory_space<hbm>>
        %dma_start3A_33 = tpu.memref_squeeze %dma_start3A_32 : memref<1x2048xf32, #tpu.memory_space<hbm>> -> memref<2048xf32, #tpu.memory_space<hbm>>
        tpu.enqueue_dma source(%arg6 : memref<2048xf32, #tpu.memory_space<vmem>>) target(%dma_start3A_33 : memref<2048xf32, #tpu.memory_space<hbm>>) target_semaphore(%run_scoped3A : memref<!tpu.dma_semaphore, #tpu.memory_space<semaphore_mem>>)
        %dma_wait3A = arith.constant 0 : i32
        %dma_wait3A_34 = tpu.memref_slice %arg4[%add3A, %dma_wait3A] : memref<8x2048xf32, #tpu.memory_space<hbm>> -> memref<1x2048xf32, #tpu.memory_space<hbm>>
        %dma_wait3A_35 = tpu.memref_squeeze %dma_wait3A_34 : memref<1x2048xf32, #tpu.memory_space<hbm>> -> memref<2048xf32, #tpu.memory_space<hbm>>
        %dma_wait3A_36 = arith.constant 0 : i32
        %dma_wait3A_37 = tpu.memref_slice %arg4[%add3A, %dma_wait3A_36] : memref<8x2048xf32, #tpu.memory_space<hbm>> -> memref<1x2048xf32, #tpu.memory_space<hbm>>
        %dma_wait3A_38 = tpu.memref_squeeze %dma_wait3A_37 : memref<1x2048xf32, #tpu.memory_space<hbm>> -> memref<2048xf32, #tpu.memory_space<hbm>>
        tpu.wait_dma2 semaphore(%run_scoped3A : memref<!tpu.dma_semaphore, #tpu.memory_space<semaphore_mem>>) src(%arg6 : memref<2048xf32, #tpu.memory_space<vmem>>) dst(%dma_wait3A_38 : memref<2048xf32, #tpu.memory_space<hbm>>)
        tpu.yield
      }) : () -> ()
    } else {
    }
    return
  }
}

module attributes {stable_mosaic.version = 14 : i64} {
  func.func @_prelude_body(%arg0: memref<8x2048xf32, #tpu.memory_space<vmem>>, %arg1: memref<8x2048xf32, #tpu.memory_space<vmem>>, %arg2: memref<8x2048xf32, #tpu.memory_space<vmem>>) attributes {dimension_semantics = [], scalar_prefetch = 0 : i64, scratch_operands = 0 : i64, tpu.core_type = #tpu.core_type<tc>} {
    %get3A = arith.constant 0 : index
    %get3A_0 = arith.constant 0 : index
    %get3A_1 = vector.load %arg1[%get3A, %get3A_0] : memref<8x2048xf32, #tpu.memory_space<vmem>>, vector<8x2048xf32>
    %add3A = arith.constant 1.17549435E-38 : f32
    %add3A_2 = vector.broadcast %add3A : f32 to vector<8x2048xf32>
    %add3A_3 = arith.addf %get3A_1, %add3A_2 : vector<8x2048xf32>
    %log3A = math.log %add3A_3 : vector<8x2048xf32>
    %neg3A = arith.constant 0.000000e+00 : f32
    %neg3A_4 = vector.broadcast %neg3A : f32 to vector<8x2048xf32>
    %neg3A_5 = arith.subf %neg3A_4, %log3A : vector<8x2048xf32>
    %log3A_6 = math.log %neg3A_5 : vector<8x2048xf32>
    %neg3A_7 = arith.constant 0.000000e+00 : f32
    %neg3A_8 = vector.broadcast %neg3A_7 : f32 to vector<8x2048xf32>
    %neg3A_9 = arith.subf %neg3A_8, %log3A_6 : vector<8x2048xf32>
    %get3A_10 = arith.constant 0 : index
    %get3A_11 = arith.constant 0 : index
    %get3A_12 = vector.load %arg0[%get3A_10, %get3A_11] : memref<8x2048xf32, #tpu.memory_space<vmem>>, vector<8x2048xf32>
    %add3A_13 = arith.addf %get3A_12, %neg3A_9 : vector<8x2048xf32>
    %reduce_max3A = arith.constant dense<0xFF800000> : vector<8xf32>
    %reduce_max3A_14 = vector.multi_reduction <maximumf>, %add3A_13, %reduce_max3A [1] : vector<8x2048xf32> to vector<8xf32>
    %broadcast_in_dim3A = vector.shape_cast %reduce_max3A_14 : vector<8xf32> to vector<8x1xf32>
    %sub3A = vector.broadcast %broadcast_in_dim3A : vector<8x1xf32> to vector<8x2048xf32>
    %sub3A_15 = arith.subf %add3A_13, %sub3A : vector<8x2048xf32>
    %exp3A = math.exp %sub3A_15 : vector<8x2048xf32>
    %swap3A = arith.constant 0 : index
    %swap3A_16 = arith.constant 0 : index
    %swap3A_17 = vector.load %arg2[%swap3A, %swap3A_16] : memref<8x2048xf32, #tpu.memory_space<vmem>>, vector<8x2048xf32>
    tpu.vector_store %arg2[%swap3A, %swap3A_16], %exp3A {strides = array<i32>} : memref<8x2048xf32, #tpu.memory_space<vmem>>, vector<8x2048xf32>,
    return
  }
}

</mosaic_0001>

<sc_bundles>
// kernel: kernel.4.cloned.1.call-start
scs
__scs_entry_jumppad:
0x0: {  	(pc) =	sbr.rel $0x88, $3  }
0x1: {  	(tag) =	ssettag $0x0;
	lr =	simm.s32 $0x1  }
0x2: {  	[smem:$0x3F9E] =	sst lr;
	_ =	strace $0xD0000000  }
0x3: {  	_ = 	snop  }
0x4: {  	_ = 	snop  }
0x5: {  	_ = 	snop  }
0x6: {  	_ = 	snop  }
0x7: {  	_ = 	snop  }
__scs_overlays_trampoline_lowered:
0x8: {  	[smem:$0x3FAD] =	sst s0  }
0x9: {  	[smem:$0x3FAE] =	sst s1  }
0xa: {  	[smem:$0x3FAF] =	sst s2  }
0xb: {  	[smem:$0x3FB0] =	sst s3  }
0xc: {  	[smem:$0x3FB1] =	sst s4  }
0xd: {  	[smem:$0x3FB2] =	sst s5  }
0xe: {  	[smem:$0x3FB3] =	sst s6  }
0xf: {  	[smem:$0x3FB4] =	sst s7  }
0x10: {  	[smem:$0x3FB5] =	sst s8  }
0x11: {  	[smem:$0x3FB6] =	sst s9;
	s0 =	simm.s32 @!p0 $0x0  }
0x12: {  	s1 =	sld [smem:$0x3F9C];
	s0 =	simm.s32 @p0 $0x1  }
0x13: {  	[smem:$0x3FB7] =	sst s0;
	s0 =	simm.s32 @!p1 $0x0  }
0x14: {  	s2 =	sld [smem:$0x3F9B];
	s0 =	simm.s32 @p1 $0x1  }
0x15: {  	[smem:$0x3FB8] =	sst s0;
	s0 =	simm.s32 @!p2 $0x0  }
0x16: {  	s3 =	sld [smem:$0x3FDB];
	s0 =	simm.s32 @p2 $0x1  }
0x17: {  	s4 =	simm.s32 $0x1BF5;
	[smem:$0x3FBA] =	sst s0  }
0x18: {  	s0 =	sld [smem:$0x3F9D];
	_ =	swait.ge [sflag:s4], $0x0  }
0x19: {  	s7 =	sld [smem:$0x3F9E]  }
0x1a: {  	s8 =	sadd.s32 $0xFFFFE003, lr  }
0x1b: {  	s9 =	sadd.s32 $0xFFFFFEF7, lr;
	s5 =	simm.s32 $0xFFFFFFFF;
	p2 =	slt.u32 s8, $0xFFFFF086  }
0x1c: {  	p1 =	slt.u32 s9, $0xF7A;
	s5 =	simm.s32 @!p2 $0x0  }
0x1d: {  	s5 =	simm.s32 @p1 $0x1;
	p0 =	seq.s32 s7, s2  }
0x1e: {  	s7 =	smul.u32 @!p0 $0xF7A, s2;
	p2 =	seq.s32 @!p0 s5, $0x0  }
0x1f: {  	s9 =	smul.u32 $0xF7A, s1;
	s8 =	simm.s32 @!p0 $0x1BF5;
	p2 =	por !p2, p0  }
0x20: {  	[sflag:s8] =	ssyncset.s32 @!p0 $0xFFFFF086;
	s6 =	sadd.s32 @!p0 s3, s7;
	s7 =	simm.s32 @!p0 $0x108  }
0x21: {  	s3 =	sadd.s32 s3, s9;
	s6 =	sadd.s32 @!p0 $0x88, s6;
	s7 =	simm.s32 @p2 $0x1082  }
0x22: {  	[simem:s7], [sflag:s8] =	dma.local @!p0 [hbm:s6], $0xF7A  }
0x23: {  	s9 =	sor.u32 $0xD0000000, s2;
	s6 =	simm.s32 $0x108;
	_ =	swait.ge @!p0 [sflag:s8], $0x0  }
0x24: {  	s3 =	sadd.s32 $0x88, s3;
	s6 =	simm.s32 @!p1 $0x1082;
	[sflag:s4] =	ssyncset.s32 $0xFFFFF086  }
0x25: {  	[simem:s6], [sflag:s4] =	dma.local [hbm:s3], $0xF7A  }
0x26: {  	[smem:$0x3F9E] =	sst s1;
	(tag) =	ssettag s2;
	_ =	strace s9  }
0x27: {  	s1 =	sld [smem:$0x3FAE]  }
0x28: {  	s2 =	sld [smem:$0x3FAF]  }
0x29: {  	s4 =	sld [smem:$0x3FB1]  }
0x2a: {  	p0 =	seq.s32 s5, $0x0;
	s5 =	sld [smem:$0x3FB2]  }
0x2b: {  	s6 =	sld [smem:$0x3FB3]  }
0x2c: {  	s7 =	sld [smem:$0x3FB4]  }
0x2d: {  	s3 =	simm.s32 $0x108;
	s8 =	sld [smem:$0x3FB5]  }
0x2e: {  	s3 =	simm.s32 @!p0 $0x1082;
	s9 =	sld [smem:$0x3FB6]  }
0x2f: {  	lr =	sadd.s32 s0, s3;
	s0 =	sld [smem:$0x3FAD]  }
0x30: {  	s3 =	sld [smem:$0x3FB0]  }
0x31: {  	[smem:$0x3FB9] =	sst s10  }
0x32: {  	s10 =	sld [smem:$0x3FB7];
	_ =	sdelay $0x3  }
0x33: {  	p0 =	seq.s32 s10, $0x1;
	s10 =	sld [smem:$0x3FB9];
	_ =	sdelay $0x3  }
0x34: {  	[smem:$0x3FB9] =	sst s10  }
0x35: {  	s10 =	sld [smem:$0x3FB8];
	_ =	sdelay $0x3  }
0x36: {  	p1 =	seq.s32 s10, $0x1;
	s10 =	sld [smem:$0x3FB9];
	_ =	sdelay $0x3  }
0x37: {  	[smem:$0x3FB9] =	sst s10  }
0x38: {  	s10 =	sld [smem:$0x3FBA]  }
0x39: {  	_ = 	snop;
	(pc) =	sbr.ind lr, $3  }
0x3a: {  	_ = 	snop  }
0x3b: {  	_ = 	snop  }
0x3c: {  	p2 =	seq.s32 s10, $0x1;
	s10 =	sld [smem:$0x3FB9]  }
0x3d: {  	_ =	shalt  }
0x3e: {  	_ =	shalt  }
0x3f: {  	_ =	shalt  }
0x40: {  	_ =	shalt  }
0x41: {  	_ =	shalt  }
0x42: {  	_ =	shalt  }
0x43: {  	_ =	shalt  }
0x44: {  	_ =	shalt  }
0x45: {  	_ =	shalt  }
0x46: {  	_ =	shalt  }
0x47: {  	_ =	shalt  }
0x48: {  	_ =	shalt  }
0x49: {  	_ =	shalt  }
0x4a: {  	_ =	shalt  }
0x4b: {  	_ =	shalt  }
0x4c: {  	_ =	shalt  }
0x4d: {  	_ =	shalt  }
0x4e: {  	_ =	shalt  }
0x4f: {  	_ =	shalt  }
0x50: {  	_ =	shalt  }
0x51: {  	_ =	shalt  }
0x52: {  	_ =	shalt  }
0x53: {  	_ =	shalt  }
0x54: {  	_ =	shalt  }
0x55: {  	_ =	shalt  }
0x56: {  	_ =	shalt  }
0x57: {  	_ =	shalt  }
0x58: {  	_ =	shalt  }
0x59: {  	_ =	shalt  }
0x5a: {  	_ =	shalt  }
0x5b: {  	_ =	shalt  }
0x5c: {  	_ =	shalt  }
0x5d: {  	_ =	shalt  }
0x5e: {  	_ =	shalt  }
0x5f: {  	_ =	shalt  }
0x60: {  	_ =	shalt  }
0x61: {  	_ =	shalt  }
0x62: {  	_ =	shalt  }
0x63: {  	_ =	shalt  }
0x64: {  	_ =	shalt  }
0x65: {  	_ =	shalt  }
0x66: {  	_ =	shalt  }
0x67: {  	_ =	shalt  }
0x68: {  	_ =	shalt  }
0x69: {  	_ =	shalt  }
0x6a: {  	_ =	shalt  }
0x6b: {  	_ =	shalt  }
0x6c: {  	_ =	shalt  }
0x6d: {  	_ =	shalt  }
0x6e: {  	_ =	shalt  }
0x6f: {  	_ =	shalt  }
0x70: {  	_ =	shalt  }
0x71: {  	_ =	shalt  }
0x72: {  	_ =	shalt  }
0x73: {  	_ =	shalt  }
0x74: {  	_ =	shalt  }
0x75: {  	_ =	shalt  }
0x76: {  	_ =	shalt  }
0x77: {  	_ =	shalt  }
0x78: {  	_ =	shalt  }
0x79: {  	_ =	shalt  }
0x7a: {  	_ =	shalt  }
0x7b: {  	_ =	shalt  }
0x7c: {  	_ =	shalt  }
0x7d: {  	_ =	shalt  }
0x7e: {  	_ =	shalt  }
0x7f: {  	_ =	shalt  }
0x80: {  	_ =	shalt  }
0x81: {  	_ =	shalt  }
0x82: {  	_ =	shalt  }
0x83: {  	_ =	shalt  }
0x84: {  	_ =	shalt  }
0x85: {  	_ =	shalt  }
0x86: {  	_ =	shalt  }
0x87: {  	_ =	shalt  }
.Lfunc_end0:
.L_simem_size_0:
called_computation_lowered:
.L_overlay_start_0:
0x88: {  	s2 =	sld [smem:$0x3FD9]  }
0x89: {  	s3 =	sld [smem:$0x3FFE];
	_ =	sdelay $0x1  }
0x8a: {  	s1 =	srdreg.scid  }
0x8b: {  	s0 =	sand.u32 $0x1, s1  }
0x8c: {  	s17 =	sshll.u32 s0, $0xA;
	s2 =	sadd.s32 s3, s2  }
0x8d: {  	s2 =	sadd.s32 s2, s17  }
0x8e: {  	[smem:$0x3FC5] =	sst s2  }
0x8f: {  	_ = 	snop  }
0x90: {  	s2 =	sld [smem:$0x3FD0];
	(tm) =	ssettm $0x1  }
0x91: {  	s18 =	sld [smem:$0x3FFB];
	_ =	sdelay $0x3  }
0x92: {  	_ =	strace s18  }
0x93: {  	s3 =	sld [smem:$0x3FFC];
	_ =	sdelay $0x3  }
0x94: {  	_ =	strace s3  }
0x95: {  	s3 =	sld [smem:$0x3FFD];
	_ =	sdelay $0x3  }
0x96: {  	_ =	strace s3  }
0x97: {  	_ =	strace $0x8FFFFFFF  }
0x98: {  	s19 =	sld [smem:$0x3FDB];
	_ =	sdelay $0x1  }
0x99: {  	s4 =	simm.s32 $_scs_section_size  }
0x9a: {  	s5 =	simm.s32 $_size__tile_overlayer_lowered;
	s6 =	simm.s32 $_tile_overlayer_lowered  }
0x9b: {  	s22 =	simm.s32 $0x1BFF;
	s21 =	sshll.u32 s6, $0x1;
	s3 =	sadd.s32 s4, s19  }
0x9c: {  	s7 =	simm.s32 $0x0;
	s20 =	sshll.u32 s5, $0x1;
	s5 =	sadd.s32 s21, s3  }
0x9d: {  	[timem:s7], [sflag:s22] =	dma.local [hbm:s5], s20  }
0x9e: {  	_ =	swait.ge [sflag:s22], s20  }
0x9f: {  	s4 =	ssub.s32 $0x0, s20;
	[sflag:s22] =	ssyncset.done $0x0  }
0xa0: {  	[sflag:s22] =	ssyncadd.s32 s4;
	_ =	sdelay $0x1  }
0xa1: {  	s23 =	simm.s32 $0x1B8B  }
0xa2: {  	_ =	swait.ge [sflag:s23], $0x1  }
0xa3: {  	[sflag:s23] =	ssyncset.done $0x0  }
0xa4: {  	s25 =	simm.s32 $0x1B8E;
	s24 =	sld [smem:$0x3FFE];
	[sflag:s23] =	ssyncadd.s32 $0xFFFFFFFF  }
0xa5: {  	s26 =	simm.s32 $execute0_lowered;
	[smem:$0x3FD2] =	sst s25  }
0xa6: {  	s5 =	sshll.u32 s26, $0x1;
	_ =	strace $0x80000046;
	[dreg:$0x1] =	wrdreg $0xFFFFFFFF  }
0xa7: {  	s28 =	simm.s32 $_size_execute0_lowered;
	s3 =	sadd.s32 s3, s5;
	[dreg:$0x0] =	wrdreg $0x0  }
0xa8: {  	s5 =	sshll.u32 s28, $0x1;
	[dreg:$0x2] =	wrdreg s3  }
0xa9: {  	[dreg:$0x3] =	wrdreg s5  }
0xaa: {  	[dreg:$0x4] =	wrdreg $0xC0  }
0xab: {  	_ =	task [dreg:s7], $0x5FFFF  }
0xac: {  	[dreg:$0x1] =	wrdreg $0xFFFFFFFF  }
0xad: {  	[dreg:$0x0] =	wrdreg $0x60  }
0xae: {  	[dreg:$0x2] =	wrdreg s24  }
0xaf: {  	[dreg:$0x3] =	wrdreg s2  }
0xb0: {  	[dreg:$0x4] =	wrdreg $0x9  }
0xb1: {  	_ =	task.clear_ibuf [dreg:s7], $0x5FFFF;
	_ =	strace $0x90000046  }
0xb2: {  	s29 =	simm.s32 $0x9;
	_ =	strace $0x80000048  }
0xb3: {  	_ =	swait.ge [sflag:s29], $0x1  }
0xb4: {  	[sflag:s29] =	ssyncadd.s32 $0xFFFFFFFF  }
0xb5: {  	_ =	strace $0x90000048  }
0xb6: {  	_ =	sfence  }
0xb7: {  	s30 =	sld [smem:$0x0];
	_ =	sdelay $0x2  }
0xb8: {  	s31 =	sshll.u32 s1, $0xD;
	s1 =	sshrl.u32 s1, $0x2  }
0xb9: {  	s3 =	sand.u32 $0x4000, s31;
	s1 =	sadd.s32 s1, s30  }
0xba: {  	s0 =	sor.u32 s3, s0;
	s1 =	sshll.u32 s1, $0x11  }
0xbb: {  	s0 =	sor.u32 s1, s0  }
0xbc: {  	s0 =	sadd.s32 $0x8F2B, s0  }
0xbd: {  	[sflag:s0] =	ssyncadd.remote.s32 $0x1  }
0xbe: {  	_ =	sfence.sel $0xFFFF  }
0xbf: {  	[dreg:$0x0] =	wrdreg $0xFFFFFFFF;
	(pc) =	sbr.abs _section_cstart, $3  }
0xc0: {  	[dreg:$0x1] =	wrdreg $0xFFFFFFFF  }
0xc1: {  	_ =	task.clear_ibuf [dreg:s7], $0x2FFFF;
	_ =	strace $0x9FFFFFFF  }
0xc2: {  	(tm) =	ssettm $0x7FFFFFFF  }
0xc3: {  	_ =	shalt  }
tec
execute0_lowered:
.L_overlay_start_1:
0x0: {  	(tag) =	ssettag $0x1  }
0x1: {  	s1 =	stileid.u32  }
0x2: {  	p0 =	sgt.u32 s1, $0x3  }
.Ltmp0:
0x3: {  	_ = 	snop;
	(pc) =	sbr.rel @p0 .LBB2_10-.Ltmp0, $4  }
0x4: {  	s3 =	rddreg [dreg:$0x0]  }
0x5: {  	s4 =	rddreg [dreg:$0x1];
	s2 =	simm.s32 $0x0  }
0x6: {  	[smem:$0x7FF] =	sst s2  }
0x7: {  	s0 =	rddreg [dreg:$0x2];
	_ =	strace $0x80000047  }
0x8: {  	s5 =	srdreg.scid;
	s6 =	sadd.s32 $0xA00, s3  }
0x9: {  	s8 =	sshll.u32 s1, $0x5;
	s3 =	sadd.s32 $0x1200, s3;
	s10 =	simm.s32 $0x1000  }
.Ltmp1:
0xa: {  	s11 =	simm.s32 $0x800;
	s5 =	sand.u32 $0x1, s5;
	(pc) =	sbr.rel .LBB2_2-.Ltmp1, $4  }
0xb: {  	s12 =	simm.s32 $0x0;
	s7 =	ssub.s32 $0x2, s5;
	s5 =	sshll.u32 s5, $0x4  }
0xc: {  	s9 =	sshrl.u32 s7, $0x1;
	s5 =	sor.u32 s5, s8;
	s8 =	simm.s32 $0x400  }
0xd: {  	s7 =	ssub.s32 s7, s9;
	s4 =	sadd.s32 s4, s5;
	s5 =	sadd.s32 s6, s5  }
0xe: {  	v0 =	vimm.f32 $0.0e+00;
	s9 =	simm.s32 $0x1;
	s6 =	smax.u32 s7, $0x1;
	s7 =	simm.s32 $0x80  }
.LBB2_9:
0xf: {  	s12 =	sadd.s32 $0x1, s12  }
0x10: {  	p0 =	sne.s32 s12, s6  }
.Ltmp2:
0x11: {  	_ = 	snop;
	(pc) =	sbr.rel @!p0 .LBB2_10-.Ltmp2, $4  }
0x12: {  	[hbm4b:s4+s7] =	stream.strided.scatter [tilespmem:s11], [sflag:$0x1], $0x800, s8, s7, $0x38;
	[tilespmem:$0x1080] =	vst v63  }
0x13: {  	_ =	swait.ge [sflag:s9], $0x800  }
0x14: {  	[sflag:s9] =	ssyncset.done $0x0  }
0x15: {  	[sflag:s9] =	ssyncadd.s32 $0xFFFFF800  }
.LBB2_2:
0x16: {  	[tilespmem:s2], [sflag:$0x1] =	stream.strided.gather [hbm4b:s5+s7], $0x800, s8, s7, $0x38;
	[tilespmem:$0x1080] =	vst v63  }
0x17: {  	_ =	swait.ge [sflag:s9], $0x800  }
0x18: {  	[sflag:s9] =	ssyncset.done $0x0  }
0x19: {  	[sflag:s9] =	ssyncadd.s32 $0xFFFFF800  }
0x1a: {  	[tilespmem:s10], [sflag:$0x1] =	stream.linear.gather [hbm4b:s3+s2], $0x80, $0x38;
	[tilespmem:$0x1080] =	vst v63  }
0x1b: {  	_ =	swait.ge [sflag:s9], $0x80  }
0x1c: {  	[sflag:s9] =	ssyncset.done $0x0  }
0x1d: {  	s15 =	simm.s32 $0x840;
	[sflag:s9] =	ssyncadd.s32 $0xFFFFFF80  }
0x1e: {  	s13 =	simm.s32 $0x40;
	v2 =	vld [tilespmem:$0x1000];
	[tilespmem:s15+$0x30] =	vst v0  }
0x1f: {  	[tilespmem:s15+$0xFFFFFFD0] =	vst v0;
	v1 =	vld [tilespmem:s13+$0x30]  }
0x20: {  	[tilespmem:s15+$0xFFFFFFE0] =	vst v0;
	v3 =	vld [tilespmem:s13+$0xFFFFFFD0]  }
0x21: {  	[tilespmem:s15+$0xFFFFFFF0] =	vst v0;
	v9 =	vld [tilespmem:s13+$0xFFFFFFE0]  }
0x22: {  	[tilespmem:s15+$0x0] =	vst v0;
	v7 =	vld [tilespmem:s13+$0xFFFFFFF0]  }
0x23: {  	v5 =	vimm.f32 $0.0e+00;
	v6 =	vimm.f32 $0.0e+00;
	[tilespmem:s15+$0x10] =	vst v0;
	v8 =	vld [tilespmem:s13+$0x0]  }
0x24: {  	v4 =	vimm.f32 $0.0e+00;
	v12 =	vimm.f32 $0.0e+00;
	v10 =	vimm.f32 $0.0e+00;
	[tilespmem:s15+$0x20] =	vst v0;
	v13 =	vld [tilespmem:s13+$0x10]  }
0x25: {  	s14 =	simm.s32 $0x0;
	v11 =	vimm.f32 $0.0e+00;
	[tilespmem:s15+$0xFFFFFFC0] =	vst v0;
	s15 =	simm.s32 $0x8C0;
	v14 =	vld [tilespmem:s13+$0x20];
	v1 =	vadd.f32 v1, v0;
	v3 =	vadd.f32 v3, v0  }
.LBB2_3:
0x26: {  	[tilespmem:s15+$0x30] =	vst v0;
	s14 =	sadd.s32 $0x80, s14;
	v15 =	vld [tilespmem:s13+$0xFFFFFFC0];
	v5 =	vadd.f32 v9, v5;
	s13 =	sadd.s32 $0x80, s13  }
0x27: {  	[tilespmem:s15+$0xFFFFFFD0] =	vst v0;
	v16 =	vld [tilespmem:s13+$0x30];
	p0 =	slt.u32 s14, $0x780;
	v6 =	vadd.f32 v7, v6  }
0x28: {  	v17 =	vld [tilespmem:s13+$0xFFFFFFD0];
	[tilespmem:s15+$0xFFFFFFE0] =	vst v0;
	v4 =	vadd.f32 v8, v4  }
.Ltmp3:
0x29: {  	v9 =	vld [tilespmem:s13+$0xFFFFFFE0];
	[tilespmem:s15+$0xFFFFFFF0] =	vst v0;
	v12 =	vadd.f32 v13, v12;
	(pc) =	sbr.rel @p0 .LBB2_3-.Ltmp3, $4  }
0x2a: {  	v7 =	vld [tilespmem:s13+$0xFFFFFFF0];
	[tilespmem:s15+$0x0] =	vst v0;
	v10 =	vadd.f32 v14, v10  }
0x2b: {  	v8 =	vld [tilespmem:s13+$0x0];
	[tilespmem:s15+$0x10] =	vst v0;
	v11 =	vadd.f32 v15, v11  }
0x2c: {  	v13 =	vld [tilespmem:s13+$0x10];
	[tilespmem:s15+$0x20] =	vst v0;
	v1 =	vadd.f32 v16, v1  }
0x2d: {  	[tilespmem:s15+$0xFFFFFFC0] =	vst v0;
	v3 =	vadd.f32 v17, v3;
	v14 =	vld [tilespmem:s13+$0x20];
	s15 =	sadd.s32 $0x80, s15  }
0x2e: {  	(v2sf) =	vpush v2, $0x0;
	_ =	sdelay $0xe  }
0x2f: {  	v15 =	vld [tilespmem:s13+$0xFFFFFFC0];
	s13 =	spop (v2sf)  }
0x30: {  	p0 =	slt.s32 s13, $0x1  }
.Ltmp4:
0x31: {  	_ = 	snop;
	(pc) =	sbr.rel @p0 .LBB2_9-.Ltmp4, $4  }
0x32: {  	_ = 	snop  }
0x33: {  	v2 =	vadd.f32 v9, v5;
	v5 =	vadd.f32 v7, v6  }
0x34: {  	v4 =	vadd.f32 v8, v4;
	v6 =	vadd.f32 v13, v12  }
0x35: {  	v7 =	vadd.f32 v14, v10;
	v8 =	vadd.f32 v15, v11  }
0x36: {  	v2 =	vadd.f32 v5, v2;
	v4 =	vadd.f32 v6, v4  }
0x37: {  	v3 =	vadd.f32 v3, v8;
	v1 =	vadd.f32 v1, v7;
	_ =	sdelay $0x1  }
0x38: {  	v2 =	vadd.f32 v2, v3;
	v1 =	vadd.f32 v1, v4;
	_ =	sdelay $0x1  }
0x39: {  	v1 =	vadd.f32 v1, v2;
	_ =	sdelay $0x1  }
0x3a: {  	(xrf2) =	vadd.scan.msk.f32 $0xffff, v1;
	_ =	sdelay $0x9  }
0x3b: {  	v1, _, _ =	vpop (xrf2)  }
0x3c: {  	s14 =	simm.s32 $0x0;
	v1 =	vbroadcast v1, $0xF  }
.LBB2_6:
0x3d: {  	_ = 	snop  }
0x3e: {  	(erf) = vrcp.f32 v1  }
0x3f: {  	s15 =	simm.s32 $0x0  }
0x40: {  	v8 =	vld [tilespmem:s15+$0x30]  }
0x41: {  	v2 =	vld [tilespmem:s15+$0x60]  }
0x42: {  	v9 =	vld [tilespmem:s15+$0x50]  }
0x43: {  	v3 =	vld [tilespmem:s15+$0x70]  }
0x44: {  	v1 =	vld [tilespmem:s15+$0x10]  }
0x45: {  	v4 =	vld [tilespmem:s15+$0x20]  }
0x46: {  	v15 =	vld [tilespmem:s15+$0x0]  }
0x47: {  	v5 =	vpop (erf)  }
0x48: {  	v10 =	vmul.f32 v2, v5;
	v11 =	vmul.f32 v8, v5  }
0x49: {  	v12 =	vmul.f32 v9, v5;
	v13 =	vmul.f32 v3, v5  }
0x4a: {  	v7 =	vld [tilespmem:s15+$0x40];
	v16 =	vmul.f32 v1, v5;
	v24 =	vmul.f32 v4, v5;
	v18 =	vsub.f32 $1.000000000e+00, v10  }
0x4b: {  	v25 =	vmul.f32 v15, v5;
	v14 =	vsub.f32 $1.000000000e+00, v11;
	[tilespmem:s15+$0x860] =	vst.add.f32.msk $0xffff, v10;
	v10 =	vsub.f32 $1.000000000e+00, v12  }
0x4c: {  	v22 =	vsub.f32 $1.000000000e+00, v13;
	[tilespmem:s15+$0x830] =	vst.add.f32.msk $0xffff, v11;
	v19 =	vsub.f32 $1.000000000e+00, v16  }
0x4d: {  	v6 =	vimm.f32 $0.0e+00;
	v20 =	vsub.f32 $1.000000000e+00, v24;
	[tilespmem:s15+$0x870] =	vst.add.f32.msk $0xffff, v13;
	v23 =	vsub.f32 $1.000000000e+00, v25  }
0x4e: {  	[tilespmem:s15+$0x850] =	vst.add.f32.msk $0xffff, v12;
	v12 =	vimm.f32 $0.0e+00;
	v13 =	vimm.f32 $0.0e+00;
	v11 =	vmax.f32 v14, $1.175494350e-38  }
0x4f: {  	v22 =	vmax.f32 v22, $1.175494350e-38;
	v14 =	vimm.f32 $0.0e+00;
	v17 =	vmul.f32 v11, v8  }
0x50: {  	[tilespmem:s15+$0x820] =	vst.add.f32.msk $0xffff, v24;
	v8 =	vmax.f32 v10, $1.175494350e-38;
	v10 =	vimm.f32 $0.0e+00;
	v11 =	vimm.f32 $0.0e+00  }
0x51: {  	s16 =	simm.s32 $0x0;
	s17 =	simm.s32 $0x200;
	[tilespmem:s15+$0x800] =	vst.add.f32.msk $0xffff, v25;
	v21 =	vmul.f32 v8, v9;
	v9 =	vimm.f32 $0.0e+00;
	v8 =	vimm.f32 $0.0e+00  }
.LBB2_7:
0x52: {  	s18 =	sshra.s32 s17, $0x2;
	s16 =	sadd.s32 $0x80, s16;
	[tilespmem:s15+$0x810] =	vst.add.f32.msk $0xffff, v16;
	v6 =	vadd.f32 v17, v6;
	v16 =	vmul.f32 v7, v5;
	v18 =	vmax.f32 v18, $1.175494350e-38  }
0x53: {  	v24 =	vld [tilespmem:s18+$0x30];
	p0 =	slt.u32 s16, $0x780;
	v23 =	vmax.f32 v23, $1.175494350e-38;
	[tilespmem:s15+$0x50] =	vst v21;
	v14 =	vadd.f32 v21, v14;
	v18 =	vmul.f32 v18, v2  }
0x54: {  	v21 =	vmul.f32 v22, v3;
	v2 =	vld [tilespmem:s18+$0x60];
	v15 =	vmul.f32 v23, v15;
	[tilespmem:s15+$0x30] =	vst v17;
	v17 =	vsub.f32 $1.000000000e+00, v16  }
0x55: {  	v19 =	vmax.f32 v19, $1.175494350e-38;
	v20 =	vmax.f32 v20, $1.175494350e-38;
	v22 =	vld [tilespmem:s18+$0x50];
	[tilespmem:s15+$0x60] =	vst v18;
	v9 =	vadd.f32 v18, v9  }
0x56: {  	v18 =	vmul.f32 v20, v4;
	v3 =	vld [tilespmem:s18+$0x70];
	v10 =	vadd.f32 v15, v10;
	v4 =	vmax.f32 v17, $1.175494350e-38;
	[tilespmem:s15+$0x70] =	vst v21  }
0x57: {  	v8 =	vadd.f32 v21, v8;
	v17 =	vmul.f32 v19, v1;
	[tilespmem:s15+$0x0] =	vst v15;
	v1 =	vld [tilespmem:s18+$0x10];
	v19 =	vmul.f32 v4, v7  }
0x58: {  	v12 =	vadd.f32 v18, v12;
	v4 =	vld [tilespmem:s18+$0x20];
	[tilespmem:s15+$0x20] =	vst v18  }
0x59: {  	v13 =	vadd.f32 v17, v13;
	[tilespmem:s15+$0x840] =	vst.add.f32.msk $0xffff, v16;
	v11 =	vadd.f32 v19, v11  }
0x5a: {  	v16 =	vmul.f32 v2, v5;
	v15 =	vld [tilespmem:s18+$0x0];
	[tilespmem:s15+$0x10] =	vst v17  }
0x5b: {  	v17 =	vmul.f32 v24, v5;
	v7 =	vld [tilespmem:s18+$0x40];
	[tilespmem:s15+$0x40] =	vst v19;
	s15 =	smov.u32 s18  }
0x5c: {  	v20 =	vmul.f32 v22, v5;
	v18 =	vsub.f32 $1.000000000e+00, v16;
	v19 =	vmul.f32 v3, v5;
	[tilespmem:s15+$0x860] =	vst.add.f32.msk $0xffff, v16  }
.Ltmp5:
0x5d: {  	v16 =	vmul.f32 v1, v5;
	[tilespmem:s15+$0x830] =	vst.add.f32.msk $0xffff, v17;
	v17 =	vsub.f32 $1.000000000e+00, v17;
	(pc) =	sbr.rel @p0 .LBB2_7-.Ltmp5, $4  }
0x5e: {  	v23 =	vsub.f32 $1.000000000e+00, v20;
	v21 =	vmul.f32 v4, v5;
	v25 =	vsub.f32 $1.000000000e+00, v19;
	[tilespmem:s15+$0x870] =	vst.add.f32.msk $0xffff, v19  }
0x5f: {  	v19 =	vsub.f32 $1.000000000e+00, v16;
	v26 =	vmul.f32 v15, v5;
	v17 =	vmax.f32 v17, $1.175494350e-38;
	[tilespmem:s15+$0x850] =	vst.add.f32.msk $0xffff, v20  }
0x60: {  	v20 =	vsub.f32 $1.000000000e+00, v21;
	[tilespmem:s15+$0x820] =	vst.add.f32.msk $0xffff, v21;
	v17 =	vmul.f32 v17, v24;
	v21 =	vmax.f32 v23, $1.175494350e-38  }
0x61: {  	s17 =	sadd.s32 $0x200, s17;
	[tilespmem:s15+$0x800] =	vst.add.f32.msk $0xffff, v26;
	v23 =	vsub.f32 $1.000000000e+00, v26;
	v21 =	vmul.f32 v21, v22;
	v22 =	vmax.f32 v25, $1.175494350e-38  }
0x62: {  	v6 =	vadd.f32 v17, v6;
	v5 =	vmul.f32 v7, v5  }
0x63: {  	v18 =	vmax.f32 v18, $1.175494350e-38;
	v3 =	vmul.f32 v22, v3;
	v19 =	vmax.f32 v19, $1.175494350e-38  }
0x64: {  	v20 =	vmax.f32 v20, $1.175494350e-38;
	v23 =	vmax.f32 v23, $1.175494350e-38;
	v62 =	vsub.f32 $1.000000000e+00, v5  }
0x65: {  	v14 =	vadd.f32 v21, v14;
	v2 =	vmul.f32 v18, v2;
	v4 =	vmul.f32 v20, v4  }
0x66: {  	v1 =	vmul.f32 v19, v1;
	v15 =	vmul.f32 v23, v15;
	v18 =	vmax.f32 v62, $1.175494350e-38  }
0x67: {  	v8 =	vadd.f32 v3, v8;
	v9 =	vadd.f32 v2, v9;
	v63 =	vmul.f32 v18, v7  }
0x68: {  	v12 =	vadd.f32 v4, v12;
	v13 =	vadd.f32 v1, v13  }
0x69: {  	v10 =	vadd.f32 v15, v10;
	v11 =	vadd.f32 v63, v11  }
0x6a: {  	v6 =	vadd.f32 v6, v12;
	v8 =	vadd.f32 v8, v9  }
0x6b: {  	v10 =	vadd.f32 v13, v10;
	v11 =	vadd.f32 v14, v11;
	_ =	sdelay $0x1  }
0x6c: {  	v6 =	vadd.f32 v6, v10;
	v8 =	vadd.f32 v8, v11;
	_ =	sdelay $0x1  }
0x6d: {  	v6 =	vadd.f32 v8, v6;
	_ =	sdelay $0x1  }
0x6e: {  	(xrf2) =	vadd.scan.msk.f32 $0xffff, v6;
	_ =	sdelay $0x1  }
0x6f: {  	[tilespmem:s15+$0x810] =	vst.add.f32.msk $0xffff, v16  }
0x70: {  	[tilespmem:s15+$0x30] =	vst v17  }
0x71: {  	[tilespmem:s15+$0x50] =	vst v21  }
0x72: {  	s14 =	sadd.s32 $0x1, s14;
	[tilespmem:s15+$0x70] =	vst v3  }
0x73: {  	p0 =	sne.s32 s14, s13;
	[tilespmem:s15+$0x840] =	vst.add.f32.msk $0xffff, v5  }
.Ltmp6:
0x74: {  	[tilespmem:s15+$0x60] =	vst v2;
	(pc) =	sbr.rel @p0 .LBB2_6-.Ltmp6, $4  }
.Ltmp7:
0x75: {  	[tilespmem:s15+$0x20] =	vst v4;
	(pc) =	sbr.rel @!p0 .LBB2_9-.Ltmp7, $4  }
0x76: {  	[tilespmem:s15+$0x10] =	vst v1  }
0x77: {  	[tilespmem:s15+$0x0] =	vst v15;
	v1, _, _ =	vpop (xrf2)  }
0x78: {  	[tilespmem:s15+$0x40] =	vst v63;
	v1 =	vbroadcast v1, $0xF  }
0x79: {  	_ = 	snop  }
.LBB2_10:
0x7a: {  	_ =	sfence.sel $0x180000  }
0x7b: {  	[bflag:$0x0] =	sbarrier.arrive $0xFFFF  }
0x7c: {  	p0 =	sne.s32 s1, $0x0;
	_ =	strace $0x90000047  }
0x7d: {  	s0 =	sadd.s32 @!p0 $0x100000, s0;
	[bflag:$0x2] =	sbarrier.arrive $0xFFFF  }
0x7e: {  	[sflag:s0] =	ssyncadd.tile.s32 @!p0 $0x1;
	_ =	shalt  }
.Lfunc_end2:
_tile_overlayer_lowered:
.L_overlay_start_2:
0x7f: {  	(tag) =	ssettag $0x2  }
0x80: {  	s0 =	rddreg [dreg:$0x0];
	s2 =	stileid.u32  }
0x81: {  	s1 =	rddreg [dreg:$0x1];
	p0 =	sne.s32 s2, $0x0  }
0x82: {  	s3 =	rddreg [dreg:$0x2];
	[bflag:$0x3] =	sbarrier.arrive $0xFFFF;
	s2 =	simm.s32 @!p0 $0x1C01  }
0x83: {  	[timem:s3], [sflag:s2] =	dma.local @!p0 [hbm:s0], s1  }
0x84: {  	s0 =	simm.s32 @!p0 $0x1  }
0x85: {  	_ =	swait.ge @!p0 [sflag:s0], s1  }
0x86: {  	s1 =	ssub.s32 @!p0 $0x0, s1;
	[sflag:s0] =	ssyncset.done @!p0 $0x0  }
0x87: {  	[sflag:s0] =	ssyncadd.s32 @!p0 s1  }
0x88: {  	[bflag:$0x3] =	sbarrier.arrive $0xFFFF  }
0x89: {  	_ =	shalt  }

</sc_bundles>
